<compile_context>
chip_gen: v7x
topology: tpu7x:2x2x1
jax: 0.10.2.dev20260603
libtpu: 0.0.44.dev20260713+nightly
codegen_flags: <defaults>
</compile_context>

<pallas_src>
import jax
import jax.numpy as jnp
from jax.experimental import pallas as pl

_N, _T, _P, _D = 8, 48, 325, 512
_M = _N * _T * _P
_BM = 2600


def _body(x_ref, m_ref, tw_ref, c_ref, vw_ref, et_ref, ut_ref, out_ref):
    xv = x_ref[...]
    v = xv[:, 0:1]
    t = xv[:, 1:2]
    mon = m_ref[...] > 0.5
    bad = jnp.isnan(v)
    ve = jnp.where(bad, et_ref[...], v * vw_ref[...])
    ve = jnp.where(mon, ve, ut_ref[...])
    out_ref[...] = t * tw_ref[...] + c_ref[...] + ve


def kernel(x, monitor_mask, time_emb_w, time_emb_b, value_emb_w, value_emb_b,
           empty_token, unmonitored_token):
    xf = x.reshape(_M, 2)
    ms = monitor_mask.astype(jnp.float32).reshape(_M, 1)
    c = time_emb_b + value_emb_b
    et = empty_token.reshape(1, _D) - value_emb_b
    ut = unmonitored_token.reshape(1, _D) - value_emb_b

    out = pl.pallas_call(
        _body,
        grid=(_M // _BM,),
        in_specs=[pl.BlockSpec((_BM, 2), lambda i: (i, 0)),
                  pl.BlockSpec((_BM, 1), lambda i: (i, 0)),
                  pl.BlockSpec((1, _D), lambda i: (0, 0)),
                  pl.BlockSpec((1, _D), lambda i: (0, 0)),
                  pl.BlockSpec((1, _D), lambda i: (0, 0)),
                  pl.BlockSpec((1, _D), lambda i: (0, 0)),
                  pl.BlockSpec((1, _D), lambda i: (0, 0))],
        out_specs=pl.BlockSpec((_BM, _D), lambda i: (i, 0)),
        out_shape=jax.ShapeDtypeStruct((_M, _D), jnp.float32),
    )(xf, ms, time_emb_w, c, value_emb_w, et, ut)
    return out.reshape(_N, _T, _P, _D)

# --- scband reference (transcript-rebuilt; emitter-appended) ---
"""Pipeline reference for scband-value-embedding-9483287789774 (READ-ONLY COPY).

The authoritative reference and input builder live on the scoring server;
editing this copy changes nothing except your own understanding.
"""

import jax, jax.numpy as jnp
import numpy as np

N, T, P, D = 8, 48, 325, 512

def setup_inputs(seed: int = 0) -> dict:
    key = jax.random.key(seed)
    ks = jax.random.split(key, 10)
    x = jax.random.normal(ks[0], (N, T, P, 2), dtype=jnp.float32)
    nan_mask = jax.random.uniform(ks[1], (N, T, P)) < 0.1
    value = jnp.where(nan_mask, jnp.nan, x[..., 0])
    x = jnp.stack([value, x[..., 1]], axis=-1)
    monitor_mask = jax.random.uniform(ks[2], (N, T, P)) < 0.9
    time_emb_w = jax.random.normal(ks[3], (1, D), dtype=jnp.float32)
    time_emb_b = jax.random.normal(ks[4], (1, D), dtype=jnp.float32)
    value_emb_w = jax.random.normal(ks[5], (1, D), dtype=jnp.float32)
    value_emb_b = jax.random.normal(ks[6], (1, D), dtype=jnp.float32)
    empty_token = jax.random.normal(ks[7], (D,), dtype=jnp.float32)
    unmonitored_token = jax.random.normal(ks[8], (D,), dtype=jnp.float32)
    return {"x": x, "monitor_mask": monitor_mask, "time_emb_w": time_emb_w,
            "time_emb_b": time_emb_b, "value_emb_w": value_emb_w,
            "value_emb_b": value_emb_b, "empty_token": empty_token,
            "unmonitored_token": unmonitored_token}

def reference(x, monitor_mask, time_emb_w, time_emb_b, value_emb_w, value_emb_b, empty_token, unmonitored_token):
    value = x[..., 0]
    time = x[..., 1]
    time_emb = time[..., None] * time_emb_w + time_emb_b
    invalid_mask = jnp.isnan(value)
    # safe value to avoid NaN propagation through the discarded branch
    safe_value = jnp.where(invalid_mask, 0.0, value)
    valid_emb = safe_value[..., None] * value_emb_w + value_emb_b
    # torch semantics: first overwrite ~monitor with unmonitored_token,
    # then overwrite (invalid & monitor) with empty_token
    value_emb = jnp.where((invalid_mask & monitor_mask)[..., None], empty_token, valid_emb)
    value_emb = jnp.where((~monitor_mask)[..., None], unmonitored_token, value_emb)
    emb = time_emb + value_emb
    return emb

if __name__ == "__main__":
    import jax
    _d = setup_inputs()
    print(jax.jit(kernel)(*tuple(_d.values())))

</pallas_src>

<mosaic_0001>
module attributes {stable_mosaic.version = 14 : i64} {
  func.func @_body(%arg0: i32, %arg1: memref<2600x2xf32, #tpu.memory_space<vmem>>, %arg2: memref<2600x1xf32, #tpu.memory_space<vmem>>, %arg3: memref<1x512xf32, #tpu.memory_space<vmem>>, %arg4: memref<1x512xf32, #tpu.memory_space<vmem>>, %arg5: memref<1x512xf32, #tpu.memory_space<vmem>>, %arg6: memref<1x512xf32, #tpu.memory_space<vmem>>, %arg7: memref<1x512xf32, #tpu.memory_space<vmem>>, %arg8: memref<2600x512xf32, #tpu.memory_space<vmem>>) attributes {dimension_semantics = [#tpu.dimension_semantics<arbitrary>], iteration_bounds = array<i64: 48>, scalar_prefetch = 0 : i64, scratch_operands = 0 : i64, tpu.core_type = #tpu.core_type<tc>, window_params = [{transform_indices = @transform_0, window_bounds = array<i64: 2600, 2>}, {transform_indices = @transform_1, window_bounds = array<i64: 2600, 1>}, {pipeline_mode = #tpu.pipeline_mode<synchronous>, transform_indices = @transform_2, window_bounds = array<i64: 1, 512>}, {pipeline_mode = #tpu.pipeline_mode<synchronous>, transform_indices = @transform_3, window_bounds = array<i64: 1, 512>}, {pipeline_mode = #tpu.pipeline_mode<synchronous>, transform_indices = @transform_4, window_bounds = array<i64: 1, 512>}, {pipeline_mode = #tpu.pipeline_mode<synchronous>, transform_indices = @transform_5, window_bounds = array<i64: 1, 512>}, {pipeline_mode = #tpu.pipeline_mode<synchronous>, transform_indices = @transform_6, window_bounds = array<i64: 1, 512>}, {transform_indices = @transform_7, window_bounds = array<i64: 2600, 512>}]} {
    %get3A = arith.constant 0 : index
    %get3A_0 = arith.constant 0 : index
    %get3A_1 = vector.load %arg1[%get3A, %get3A_0] : memref<2600x2xf32, #tpu.memory_space<vmem>>, vector<2600x2xf32>
    %slice3A = vector.extract_strided_slice %get3A_1 {offsets = [0, 0], sizes = [2600, 1], strides = [1, 1]} : vector<2600x2xf32> to vector<2600x1xf32>
    %slice3A_2 = vector.extract_strided_slice %get3A_1 {offsets = [0, 1], sizes = [2600, 1], strides = [1, 1]} : vector<2600x2xf32> to vector<2600x1xf32>
    %get3A_3 = arith.constant 0 : index
    %get3A_4 = arith.constant 0 : index
    %get3A_5 = vector.load %arg2[%get3A_3, %get3A_4] : memref<2600x1xf32, #tpu.memory_space<vmem>>, vector<2600x1xf32>
    %gt3A = arith.constant 5.000000e-01 : f32
    %gt3A_6 = vector.broadcast %gt3A : f32 to vector<2600x1xf32>
    %gt3A_7 = arith.cmpf ogt, %get3A_5, %gt3A_6 : vector<2600x1xf32>
    %ne3A = arith.cmpf one, %slice3A, %slice3A : vector<2600x1xf32>
    %get3A_8 = arith.constant 0 : index
    %get3A_9 = arith.constant 0 : index
    %get3A_10 = vector.load %arg6[%get3A_8, %get3A_9] : memref<1x512xf32, #tpu.memory_space<vmem>>, vector<1x512xf32>
    %get3A_11 = arith.constant 0 : index
    %get3A_12 = arith.constant 0 : index
    %get3A_13 = vector.load %arg5[%get3A_11, %get3A_12] : memref<1x512xf32, #tpu.memory_space<vmem>>, vector<1x512xf32>
    %mul3A = vector.broadcast %slice3A : vector<2600x1xf32> to vector<2600x512xf32>
    %mul3A_14 = vector.broadcast %get3A_13 : vector<1x512xf32> to vector<2600x512xf32>
    %mul3A_15 = arith.mulf %mul3A, %mul3A_14 : vector<2600x512xf32>
    %broadcast_in_dim3A = vector.shape_cast %ne3A : vector<2600x1xi1> to vector<2600x1xi1>
    %broadcast_in_dim3A_16 = vector.broadcast %broadcast_in_dim3A : vector<2600x1xi1> to vector<2600x512xi1>
    %broadcast_in_dim3A_17 = vector.shape_cast %get3A_10 : vector<1x512xf32> to vector<1x512xf32>
    %broadcast_in_dim3A_18 = vector.broadcast %broadcast_in_dim3A_17 : vector<1x512xf32> to vector<2600x512xf32>
    %select_n3A = arith.select %broadcast_in_dim3A_16, %broadcast_in_dim3A_18, %mul3A_15 : vector<2600x512xi1>, vector<2600x512xf32>
    %get3A_19 = arith.constant 0 : index
    %get3A_20 = arith.constant 0 : index
    %get3A_21 = vector.load %arg7[%get3A_19, %get3A_20] : memref<1x512xf32, #tpu.memory_space<vmem>>, vector<1x512xf32>
    %broadcast_in_dim3A_22 = vector.shape_cast %gt3A_7 : vector<2600x1xi1> to vector<2600x1xi1>
    %broadcast_in_dim3A_23 = vector.broadcast %broadcast_in_dim3A_22 : vector<2600x1xi1> to vector<2600x512xi1>
    %broadcast_in_dim3A_24 = vector.shape_cast %get3A_21 : vector<1x512xf32> to vector<1x512xf32>
    %broadcast_in_dim3A_25 = vector.broadcast %broadcast_in_dim3A_24 : vector<1x512xf32> to vector<2600x512xf32>
    %select_n3A_26 = arith.select %broadcast_in_dim3A_23, %select_n3A, %broadcast_in_dim3A_25 : vector<2600x512xi1>, vector<2600x512xf32>
    %get3A_27 = arith.constant 0 : index
    %get3A_28 = arith.constant 0 : index
    %get3A_29 = vector.load %arg3[%get3A_27, %get3A_28] : memref<1x512xf32, #tpu.memory_space<vmem>>, vector<1x512xf32>
    %mul3A_30 = vector.broadcast %slice3A_2 : vector<2600x1xf32> to vector<2600x512xf32>
    %mul3A_31 = vector.broadcast %get3A_29 : vector<1x512xf32> to vector<2600x512xf32>
    %mul3A_32 = arith.mulf %mul3A_30, %mul3A_31 : vector<2600x512xf32>
    %get3A_33 = arith.constant 0 : index
    %get3A_34 = arith.constant 0 : index
    %get3A_35 = vector.load %arg4[%get3A_33, %get3A_34] : memref<1x512xf32, #tpu.memory_space<vmem>>, vector<1x512xf32>
    %add3A = vector.broadcast %get3A_35 : vector<1x512xf32> to vector<2600x512xf32>
    %add3A_36 = arith.addf %mul3A_32, %add3A : vector<2600x512xf32>
    %add3A_37 = arith.addf %add3A_36, %select_n3A_26 : vector<2600x512xf32>
    %swap3A = arith.constant 0 : index
    %swap3A_38 = arith.constant 0 : index
    %swap3A_39 = vector.load %arg8[%swap3A, %swap3A_38] : memref<2600x512xf32, #tpu.memory_space<vmem>>, vector<2600x512xf32>
    tpu.vector_store %arg8[%swap3A, %swap3A_38], %add3A_37 {strides = array<i32>} : memref<2600x512xf32, #tpu.memory_space<vmem>>, vector<2600x512xf32>,
    return
  }
  func.func @transform_0(%arg0: i32) -> (i32, i32) {
    %c0_i32 = arith.constant 0 : i32
    %c0_i32_0 = arith.constant 0 : i32
    return %arg0, %c0_i32 : i32, i32
  }
  func.func @transform_1(%arg0: i32) -> (i32, i32) {
    %c0_i32 = arith.constant 0 : i32
    %c0_i32_0 = arith.constant 0 : i32
    return %arg0, %c0_i32 : i32, i32
  }
  func.func @transform_2(%arg0: i32) -> (i32, i32) {
    %c0_i32 = arith.constant 0 : i32
    %c0_i32_0 = arith.constant 0 : i32
    %c0_i32_1 = arith.constant 0 : i32
    return %c0_i32, %c0_i32_0 : i32, i32
  }
  func.func @transform_3(%arg0: i32) -> (i32, i32) {
    %c0_i32 = arith.constant 0 : i32
    %c0_i32_0 = arith.constant 0 : i32
    %c0_i32_1 = arith.constant 0 : i32
    return %c0_i32, %c0_i32_0 : i32, i32
  }
  func.func @transform_4(%arg0: i32) -> (i32, i32) {
    %c0_i32 = arith.constant 0 : i32
    %c0_i32_0 = arith.constant 0 : i32
    %c0_i32_1 = arith.constant 0 : i32
    return %c0_i32, %c0_i32_0 : i32, i32
  }
  func.func @transform_5(%arg0: i32) -> (i32, i32) {
    %c0_i32 = arith.constant 0 : i32
    %c0_i32_0 = arith.constant 0 : i32
    %c0_i32_1 = arith.constant 0 : i32
    return %c0_i32, %c0_i32_0 : i32, i32
  }
  func.func @transform_6(%arg0: i32) -> (i32, i32) {
    %c0_i32 = arith.constant 0 : i32
    %c0_i32_0 = arith.constant 0 : i32
    %c0_i32_1 = arith.constant 0 : i32
    return %c0_i32, %c0_i32_0 : i32, i32
  }
  func.func @transform_7(%arg0: i32) -> (i32, i32) {
    %c0_i32 = arith.constant 0 : i32
    %c0_i32_0 = arith.constant 0 : i32
    return %arg0, %c0_i32 : i32, i32
  }
}

</mosaic_0001>

<sc_bundles>
// kernel: sparse-core-data-format-call.cloned.1.call-start
scs
called_computation_lowered:
.L_overlay_start_0:
0x0: {  	s2 =	sld [smem:$0x3FD9]  }
0x1: {  	s3 =	sld [smem:$0x3FFE];
	_ =	sdelay $0x1  }
0x2: {  	s1 =	srdreg.scid  }
0x3: {  	s0 =	sand.u32 $0x1, s1  }
0x4: {  	s18 =	sshll.u32 s0, $0xA;
	s2 =	sadd.s32 s3, s2  }
0x5: {  	s2 =	sadd.s32 s2, s18  }
0x6: {  	[smem:$0x3FC0] =	sst s2  }
0x7: {  	_ = 	snop  }
0x8: {  	s2 =	sld [smem:$0x3FD0];
	(tm) =	ssettm $0x1  }
0x9: {  	s19 =	sld [smem:$0x3FFB];
	_ =	sdelay $0x3  }
0xa: {  	_ =	strace s19  }
0xb: {  	s3 =	sld [smem:$0x3FFC];
	_ =	sdelay $0x3  }
0xc: {  	_ =	strace s3  }
0xd: {  	s3 =	sld [smem:$0x3FFD];
	_ =	sdelay $0x3  }
0xe: {  	_ =	strace s3  }
0xf: {  	_ =	strace $0x8FFFFFFF  }
0x10: {  	s20 =	sld [smem:$0x3FDB];
	_ =	sdelay $0x1  }
0x11: {  	s4 =	simm.s32 $_scs_section_size  }
0x12: {  	s5 =	simm.s32 $_size__tile_overlayer_lowered;
	s6 =	simm.s32 $_tile_overlayer_lowered  }
0x13: {  	s23 =	simm.s32 $0x1BFF;
	s22 =	sshll.u32 s6, $0x1;
	s3 =	sadd.s32 s4, s20  }
0x14: {  	s7 =	simm.s32 $0x0;
	s21 =	sshll.u32 s5, $0x1;
	s5 =	sadd.s32 s22, s3  }
0x15: {  	[timem:s7], [sflag:s23] =	dma.local [hbm:s5], s21  }
0x16: {  	_ =	swait.ge [sflag:s23], s21  }
0x17: {  	s4 =	ssub.s32 $0x0, s21;
	[sflag:s23] =	ssyncset.done $0x0  }
0x18: {  	[sflag:s23] =	ssyncadd.s32 s4;
	_ =	sdelay $0x1  }
0x19: {  	s24 =	simm.s32 $0x1B8B  }
0x1a: {  	_ =	swait.ge [sflag:s24], $0x1  }
0x1b: {  	[sflag:s24] =	ssyncset.done $0x0  }
0x1c: {  	s26 =	simm.s32 $0x1B8E;
	s25 =	sld [smem:$0x3FFE];
	[sflag:s24] =	ssyncadd.s32 $0xFFFFFFFF  }
0x1d: {  	s27 =	simm.s32 $execute0_lowered;
	[smem:$0x3FD2] =	sst s26  }
0x1e: {  	s5 =	sshll.u32 s27, $0x1;
	_ =	strace $0x80000046;
	[dreg:$0x1] =	wrdreg $0xFFFFFFFF  }
0x1f: {  	s28 =	simm.s32 $_size_execute0_lowered;
	s3 =	sadd.s32 s3, s5;
	[dreg:$0x0] =	wrdreg $0x0  }
0x20: {  	s5 =	sshll.u32 s28, $0x1;
	[dreg:$0x2] =	wrdreg s3  }
0x21: {  	[dreg:$0x3] =	wrdreg s5  }
0x22: {  	[dreg:$0x4] =	wrdreg $0xC0  }
0x23: {  	_ =	task [dreg:s7], $0x5FFFF  }
0x24: {  	[dreg:$0x1] =	wrdreg $0xFFFFFFFF  }
0x25: {  	[dreg:$0x0] =	wrdreg $0x60  }
0x26: {  	[dreg:$0x2] =	wrdreg s25  }
0x27: {  	[dreg:$0x3] =	wrdreg s2  }
0x28: {  	[dreg:$0x4] =	wrdreg $0x9  }
0x29: {  	_ =	task.clear_ibuf [dreg:s7], $0x5FFFF;
	_ =	strace $0x90000046  }
0x2a: {  	s29 =	simm.s32 $0x9;
	_ =	strace $0x80000048  }
0x2b: {  	_ =	swait.ge [sflag:s29], $0x1  }
0x2c: {  	[sflag:s29] =	ssyncadd.s32 $0xFFFFFFFF  }
0x2d: {  	_ =	strace $0x90000048  }
0x2e: {  	_ =	sfence  }
0x2f: {  	s30 =	sld [smem:$0x0];
	_ =	sdelay $0x2  }
0x30: {  	s31 =	sshll.u32 s1, $0xD;
	s1 =	sshrl.u32 s1, $0x2  }
0x31: {  	s3 =	sand.u32 $0x4000, s31;
	s1 =	sadd.s32 s1, s30  }
0x32: {  	s0 =	sor.u32 s3, s0;
	s1 =	sshll.u32 s1, $0x11  }
0x33: {  	s0 =	sor.u32 s1, s0  }
0x34: {  	s0 =	sadd.s32 $0x8F2B, s0  }
0x35: {  	[sflag:s0] =	ssyncadd.remote.s32 $0x1  }
0x36: {  	_ =	sfence.sel $0xFFFF  }
0x37: {  	[dreg:$0x0] =	wrdreg $0xFFFFFFFF;
	(pc) =	sbr.abs _section_cstart, $3  }
0x38: {  	[dreg:$0x1] =	wrdreg $0xFFFFFFFF  }
0x39: {  	_ =	task.clear_ibuf [dreg:s7], $0x2FFFF;
	_ =	strace $0x9FFFFFFF  }
0x3a: {  	(tm) =	ssettm $0x7FFFFFFF  }
0x3b: {  	_ =	shalt  }
tec
execute0_lowered:
.L_overlay_start_1:
0x0: {  	(tag) =	ssettag $0x1  }
0x1: {  	s0 =	srdreg.scid  }
0x2: {  	s8 =	stileid.u32;
	s28 =	rddreg [dreg:$0x0]  }
0x3: {  	_ =	strace $0x80000047;
	s29 =	simm.s32 $0x1;
	s31 =	simm.s32 $0x2  }
0x4: {  	s22 =	simm.s32 $0x0;
	s13 =	simm.s32 $0x0;
	s0 =	sshll.u32 s0, $0x8  }
0x5: {  	s21 =	simm.s32 $0x0;
	s2 =	sand.u32 $0x8, s8;
	s12 =	sand.u32 $0x100, s0  }
0x6: {  	s23 =	simm.s32 $0x0;
	s3 =	ssub.s32 $0x30, s2;
	s4 =	ssub.s32 $0x200, s12  }
0x7: {  	s5 =	sshrl.u32 s3, $0x4;
	s3 =	sshrl.u32 s3, $0x3;
	s6 =	sshrl.u32 s4, $0x8  }
0x8: {  	s3 =	sand.u32 $0x1, s3;
	s4 =	sshrl.u32 s4, $0x9;
	s6 =	sand.u32 $0x1, s6  }
0x9: {  	s24 =	simm.s32 $0x0;
	s3 =	sadd.s32 s5, s3;
	s4 =	sadd.s32 s4, s6  }
0xa: {  	s14 =	simm.s32 $0x0;
	s15 =	simm.s32 $0x0;
	s3 =	smul.u32 s4, s3  }
.Ltmp0:
0xb: {  	s16 =	simm.s32 $0x0;
	s17 =	simm.s32 $0x0;
	(pc) =	sbr.rel .LBB1_1-.Ltmp0, $4  }
0xc: {  	s20 =	simm.s32 $0x0;
	s30 =	simm.s32 $0x0;
	s9 =	sadd.s32 $0x1200, s28  }
0xd: {  	s8 =	sand.u32 $0x7, s8;
	[sflag:s29] =	ssyncpa.u1 $0x0;
	s7 =	smul.u32 $0x29, s3  }
0xe: {  	[sflag:s31] =	ssyncpa.u1 $0x0;
	s18 =	smov.u32 s2;
	s19 =	smov.u32 s8  }
0xf: {  	[dreg:$0x3] =	wrdreg s8;
	s10 =	sshll.u32 s12, $0x3;
	s1 =	sadd.s32 $0x1, s7  }
.LBB1_7:
0x10: {  	p0 =	slt.u32 s20, $0x2;
	s0 =	smov.u32 s23  }
0x11: {  	s4 =	smov.u32 s22;
	s5 =	smov.u32 s21;
	p1 =	sgt.s32 @!p0 s23, $0x7  }
0x12: {  	s3 =	sshra.s32 @!p0 s23, $0x1F;
	p2 =	sgt.s32 @!p0 s21, $0x28;
	s6 =	sshra.s32 @!p0 s21, $0x1F  }
0x13: {  	p1 =	por !p1, p0;
	s3 =	sand.u32 @!p0 s3, s23;
	p2 =	por !p2, p0  }
0x14: {  	s6 =	sand.u32 @!p0 s6, s21;
	s0 =	simm.s32 @p1 $0x7;
	p1 =	sgt.s32 @!p0 s22, $0x13D  }
0x15: {  	s0 =	ssub.s32 @!p0 s0, s3;
	p1 =	por !p1, p0;
	s3 =	sshra.s32 @!p0 s22, $0x1F  }
0x16: {  	s5 =	simm.s32 @p2 $0x28;
	s3 =	sand.u32 @!p0 s3, s22;
	s4 =	simm.s32 @p1 $0x13D  }
0x17: {  	s0 =	sadd.s32 @!p0 $0xFFFFFFF9, s0;
	s3 =	ssub.s32 @!p0 s4, s3;
	s4 =	ssub.s32 @!p0 s5, s6  }
0x18: {  	p1 =	sgt.s32 @!p0 s0, $0x0;
	s0 =	sshll.u32 @!p0 s0, $0x8;
	s6 =	sadd.s32 @!p0 $0xFFFFFFD8, s4  }
0x19: {  	s5 =	sadd.s32 @!p0 $0xFFFFFEC3, s3;
	s4 =	ssub.s32 @!p0 $0x30, s4;
	p2 =	sgt.s32 @!p0 s6, $0x7  }
0x1a: {  	s0 =	ssub.s32 @!p0 $0x100, s0;
	p1 =	por !p1, p0;
	p2 =	por !p2, p0  }
0x1b: {  	s0 =	simm.s32 @!p1 $0x0;
	s4 =	simm.s32 @!p2 $0x0;
	p2 =	sgt.s32 @!p0 s5, $0x7  }
0x1c: {  	s3 =	ssub.s32 @!p0 $0x145, s3;
	p1 =	por !p2, p0;
	s0 =	smul.u32 @!p0 s4, s0  }
0x1d: {  	s3 =	simm.s32 @!p1 $0x0  }
0x1e: {  	s0 =	smul.u32 @!p0 s3, s0;
	s3 =	sadd.s32 $0x8, s17  }
0x1f: {  	s5 =	smov.u32 s18;
	s4 =	sadd.s32 $0x10, s18;
	p1 =	sgt.s32 s3, $0x144  }
0x20: {  	s11 =	smov.u32 s19;
	s5 =	smov.u32 @p1 s4  }
0x21: {  	s13 =	sadd.s32 $0x4000, s13;
	s4 =	sadd.s32 $0x8, s19;
	p2 =	sgt.s32 s5, $0x2F  }
0x22: {  	s24 =	smov.u32 s12;
	s21 =	smov.u32 s15;
	s11 =	smov.u32 @p2 s4  }
0x23: {  	s23 =	smov.u32 s16;
	s3 =	simm.s32 @p1 $0x0;
	p1 =	sgt.s32 s11, $0x7  }
0x24: {  	s15 =	smov.u32 s18;
	s11 =	smov.u32 @p1 s8;
	p1 =	sne.s32 s20, s1  }
.Ltmp1:
0x25: {  	s6 =	simm.s32 @!p0 $0x2;
	s0 =	sand.u32 @!p0 $0x3FFFFF00, s0;
	(pc) =	sbr.rel @!p1 .LBB1_8-.Ltmp1, $4  }
0x26: {  	s16 =	smov.u32 s19;
	s22 =	smov.u32 s14;
	_ =	swait.ge @!p0 [sflag:s6], s0  }
0x27: {  	s14 =	smov.u32 s17;
	s0 =	ssub.s32 @!p0 $0x0, s0;
	[sflag:s6] =	ssyncset.done @!p0 $0x0  }
0x28: {  	s17 =	smov.u32 s3;
	s5 =	smov.u32 @p2 s2;
	[sflag:s6] =	ssyncadd.s32 @!p0 s0  }
0x29: {  	s18 =	smov.u32 s5;
	s20 =	sadd.s32 $0x1, s20;
	s19 =	smov.u32 s11  }
.LBB1_1:
0x2a: {  	p0 =	sge.u32 s20, s7  }
0x2b: {  	s0 =	sshll.u32 @!p0 s17, $0x9  }
0x2c: {  	s3 =	sshll.u32 @!p0 s17, $0x7;
	s0 =	sand.u32 @!p0 $0xFFFFF000, s0  }
0x2d: {  	s3 =	sand.u32 @!p0 $0x200, s3;
	s0 =	sor.u32 @!p0 s10, s0  }
0x2e: {  	s0 =	sor.u32 @!p0 s3, s0  }
0x2f: {  	s0 =	sshrl.u32 @!p0 s0, $0x9  }
0x30: {  	s3 =	smulhi.u32 @!p0 $0xC7CE0D, s0  }
0x31: {  	s4 =	smul.u32 @!p0 $0xF6000, s19  }
0x32: {  	s3 =	smul.u32 @!p0 $0x148, s3  }
0x33: {  	s31 =	sadd.s32 $0xFFFFFFFF, s20;
	s5 =	sxor.u32 @!p0 $0xFFFFFFFF, s20;
	s6 =	smul.u32 @!p0 $0x5200, s18  }
0x34: {  	s4 =	sadd.s32 @!p0 s9, s4;
	s0 =	ssub.s32 @!p0 s0, s3;
	s3 =	sshll.u32 @!p0 s17, $0x4  }
0x35: {  	s5 =	sshll.u32 @!p0 s5, $0xE;
	s4 =	sadd.s32 @!p0 s6, s4;
	s3 =	sand.u32 @!p0 $0x30, s3  }
0x36: {  	s5 =	sand.u32 @!p0 $0x4000, s5;
	s0 =	sshll.u32 @!p0 s0, $0x6;
	s3 =	sadd.s32 @!p0 s3, s4  }
0x37: {  	s4 =	simm.s32 @!p0 $0x29000;
	s0 =	sadd.s32 @!p0 s0, s3;
	s3 =	simm.s32 @!p0 $0x800  }
0x38: {  	[tilespmem:s5], [sflag:$0x1] =	stream.strided.gather @!p0 [hbm4b:s0+s3], $0x4000, s4, s3, $0x38;
	[tilespmem:$0x10000] =	vst v63  }
0x39: {  	p0 =	sge.u32 s31, s7  }
.Ltmp2:
0x3a: {  	_ = 	snop;
	(pc) =	sbr.rel @p0 .LBB1_7-.Ltmp2, $1  }
0x3b: {  	_ =	sdelay $0x3  }
0x3c: {  	s8 =	smov.u32 s12;
	s0 =	sshll.u32 s13, $0x2  }
0x3d: {  	s4 =	simm.s32 $0x1;
	s3 =	sshll.u32 s20, $0xE;
	p0 =	por $0x0, $0x0  }
0x3e: {  	s31 =	simm.s32 $0x0;
	s0 =	sand.u32 $0x10000, s0;
	_ =	swait.ge [sflag:s4], $0x4000  }
0x3f: {  	s28 =	sand.u32 $0x4000, s3;
	s3 =	simm.s32 $0x0;
	s0 =	sshrl.u32 s0, $0x2  }
0x40: {  	[sflag:s4] =	ssyncset.done $0x0;
	s25 =	sor.u32 $0x8000, s28;
	s26 =	sor.u32 $0x40, s0  }
0x41: {  	s11 =	sor.u32 $0x8410, s0;
	[sflag:s4] =	ssyncadd.s32 $0xFFFFC000;
	s29 =	sadd.s32 $0x8400, s0  }
.LBB1_3:
0x42: {  	v1 =	vld [tilespmem:s26+$0xFFFFFFD0]  }
0x43: {  	v2 =	vld [tilespmem:s26+$0x430]  }
0x44: {  	s0 =	sshll.u32 s3, $0xB;
	v4 =	vld [tilespmem:s26+$0xFFFFFFE0]  }
0x45: {  	v7 =	vld [tilespmem:s26+$0xFFFFFFF0];
	v0 =	vmov s0  }
0x46: {  	v8 =	vld [tilespmem:s26+$0x0]  }
0x47: {  	s6 =	sand.u32 $0x300, s30;
	v9 =	vld [tilespmem:s26+$0x10]  }
0x48: {  	s4 =	sand.u32 $0x80, s30;
	v10 =	vld [tilespmem:s26+$0x20];
	s0 =	sadd.s32 s6, s28  }
0x49: {  	v11 =	vld [tilespmem:s26+$0x30];
	s0 =	sadd.s32 s4, s0;
	s4 =	simm.s32 $0x1;
	[tilespmem:s11+$0x60] =	vst v2  }
0x4a: {  	s12 =	sshll.u32 s31, $0x2;
	s4 =	simm.s32 @!p0 $0x0;
	[tilespmem:s11+$0xFFFFFC00] =	vst v1;
	v3 =	vld.idx.msk [tilespmem:v0+s0+$0x400 ss:$0x1], $0xffff  }
0x4b: {  	v6 =	vld [tilespmem:s26+$0x3D0];
	s4 =	sshll.u32 s4, $0x9;
	[tilespmem:s11+$0xFFFFFC10] =	vst v4;
	s0 =	sand.u32 $0xFFFFFC00, s12  }
0x4c: {  	v5 =	vld [tilespmem:s26+$0x3E0];
	[tilespmem:s11+$0xFFFFFC20] =	vst v7;
	s0 =	sor.u32 s4, s0  }
0x4d: {  	[tilespmem:s11+$0xFFFFFC30] =	vst v8;
	v4 =	vld [tilespmem:s26+$0x400];
	s0 =	sshrl.u32 s0, $0x2  }
0x4e: {  	[tilespmem:s11+$0xFFFFFC40] =	vst v9;
	v1 =	vld [tilespmem:s26+$0x410];
	s0 =	sadd.s32 s0, s29  }
0x4f: {  	[tilespmem:s0+$0x0] =	vst v3;
	v3 =	vld [tilespmem:s26+$0x3F0]  }
0x50: {  	s27 =	smov.u32 s11;
	s6 =	simm.s32 $0x80;
	[tilespmem:s11+$0xFFFFFC50] =	vst v10;
	v2 =	vld [tilespmem:s26+$0x420]  }
0x51: {  	s5 =	sand.u32 $0x300, s6;
	v7 =	vld [tilespmem:s26+$0xFFFFFFC0];
	[tilespmem:s11+$0xFFFFFC60] =	vst v11;
	s12 =	simm.s32 $0x100;
	s4 =	sadd.s32 $0x80, s26  }
.LBB1_4:
0x52: {  	p1 =	sne.s32 s12, $0x380;
	v8 =	vld [tilespmem:s4+$0xFFFFFFD0];
	s6 =	sand.u32 $0x80, s6;
	s5 =	sadd.s32 s5, s28;
	[tilespmem:s27+$0x0] =	vst v6  }
0x53: {  	s5 =	sadd.s32 s6, s5;
	v6 =	vld [tilespmem:s4+$0x430];
	[tilespmem:s27+$0x10] =	vst v5;
	s6 =	smov.u32 s12  }
0x54: {  	v5 =	vld.idx.msk [tilespmem:v0+s5+$0x400 ss:$0x1], $0xffff;
	[tilespmem:s27+$0x20] =	vst v3  }
0x55: {  	v3 =	vld [tilespmem:s4+$0xFFFFFFE0];
	[tilespmem:s27+$0x30] =	vst v4  }
0x56: {  	v4 =	vld [tilespmem:s4+$0xFFFFFFF0];
	[tilespmem:s27+$0xFFFFFBF0] =	vst v7  }
0x57: {  	v7 =	vld [tilespmem:s4+$0x0];
	[tilespmem:s27+$0x40] =	vst v1  }
0x58: {  	v1 =	vld [tilespmem:s4+$0x10];
	[tilespmem:s27+$0x50] =	vst v2;
	s27 =	sadd.s32 $0x800, s27  }
0x59: {  	s0 =	sadd.s32 $0x800, s0;
	v2 =	vld [tilespmem:s4+$0x20];
	[tilespmem:s27+$0x60] =	vst v6  }
0x5a: {  	v9 =	vld [tilespmem:s4+$0x30];
	[tilespmem:s0+$0x0] =	vst v5  }
0x5b: {  	[tilespmem:s27+$0xFFFFFC00] =	vst v8;
	v6 =	vld [tilespmem:s4+$0x3D0]  }
0x5c: {  	[tilespmem:s27+$0xFFFFFC10] =	vst v3;
	v5 =	vld [tilespmem:s4+$0x3E0]  }
.Ltmp3:
0x5d: {  	[tilespmem:s27+$0xFFFFFC20] =	vst v4;
	v3 =	vld [tilespmem:s4+$0x3F0];
	(pc) =	sbr.rel @p1 .LBB1_4-.Ltmp3, $4  }
0x5e: {  	[tilespmem:s27+$0xFFFFFC30] =	vst v7;
	v4 =	vld [tilespmem:s4+$0x400]  }
0x5f: {  	[tilespmem:s27+$0xFFFFFC40] =	vst v1;
	v1 =	vld [tilespmem:s4+$0x410]  }
0x60: {  	[tilespmem:s27+$0xFFFFFC50] =	vst v2;
	v2 =	vld [tilespmem:s4+$0x420]  }
0x61: {  	s12 =	sadd.s32 $0x80, s12;
	s5 =	sand.u32 $0x300, s6;
	v7 =	vld [tilespmem:s4+$0xFFFFFFC0];
	[tilespmem:s27+$0xFFFFFC60] =	vst v9;
	s4 =	sadd.s32 $0x80, s4  }
0x62: {  	[tilespmem:s27+$0x0] =	vst v6  }
0x63: {  	[tilespmem:s27+$0x10] =	vst v5  }
0x64: {  	v49 =	vld [tilespmem:s4+$0x430];
	[tilespmem:s27+$0x20] =	vst v3  }
0x65: {  	v50 =	vld [tilespmem:s4+$0xFFFFFFD0];
	[tilespmem:s27+$0x30] =	vst v4  }
0x66: {  	v51 =	vld [tilespmem:s4+$0xFFFFFFE0];
	[tilespmem:s27+$0x40] =	vst v1  }
0x67: {  	v52 =	vld [tilespmem:s4+$0xFFFFFFF0];
	[tilespmem:s27+$0x50] =	vst v2  }
0x68: {  	v53 =	vld [tilespmem:s4+$0x0];
	[tilespmem:s27+$0xFFFFFBF0] =	vst v7;
	s27 =	sadd.s32 $0x800, s27  }
0x69: {  	v54 =	vld [tilespmem:s4+$0x10];
	[tilespmem:s27+$0x60] =	vst v49  }
0x6a: {  	v55 =	vld [tilespmem:s4+$0x20];
	[tilespmem:s27+$0xFFFFFC00] =	vst v50  }
0x6b: {  	v56 =	vld [tilespmem:s4+$0x30];
	[tilespmem:s27+$0xFFFFFC10] =	vst v51  }
0x6c: {  	v57 =	vld [tilespmem:s4+$0x3D0];
	[tilespmem:s27+$0xFFFFFC20] =	vst v52  }
0x6d: {  	v58 =	vld [tilespmem:s4+$0x3E0];
	[tilespmem:s27+$0xFFFFFC30] =	vst v53  }
0x6e: {  	v59 =	vld [tilespmem:s4+$0x3F0];
	[tilespmem:s27+$0xFFFFFC40] =	vst v54  }
0x6f: {  	v60 =	vld [tilespmem:s4+$0x400];
	[tilespmem:s27+$0xFFFFFC50] =	vst v55  }
0x70: {  	v61 =	vld [tilespmem:s4+$0xFFFFFFC0];
	[tilespmem:s27+$0xFFFFFC60] =	vst v56  }
0x71: {  	s6 =	sand.u32 $0x80, s6;
	s5 =	sadd.s32 s5, s28;
	v62 =	vld [tilespmem:s4+$0x410];
	[tilespmem:s27+$0x0] =	vst v57  }
0x72: {  	v63 =	vld [tilespmem:s4+$0x420];
	s3 =	sadd.s32 $0x1, s3;
	s5 =	sadd.s32 s6, s5;
	[tilespmem:s27+$0x10] =	vst v58  }
0x73: {  	p1 =	sne.s32 s3, $0x8;
	v0 =	vld.idx.msk [tilespmem:v0+s5+$0x400 ss:$0x1], $0xffff;
	[tilespmem:s27+$0x20] =	vst v59  }
.Ltmp4:
0x74: {  	[tilespmem:s27+$0x30] =	vst v60;
	(pc) =	sbr.rel @p1 .LBB1_3-.Ltmp4, $4  }
0x75: {  	[tilespmem:s27+$0xFFFFFBF0] =	vst v61  }
0x76: {  	[tilespmem:s27+$0x40] =	vst v62  }
0x77: {  	s0 =	sadd.s32 $0x800, s0;
	s26 =	sadd.s32 $0x800, s26;
	[tilespmem:s27+$0x50] =	vst v63  }
0x78: {  	s31 =	sadd.s32 $0x80, s31;
	p0 =	por !p0, !p0;
	s11 =	sadd.s32 $0x80, s11;
	[tilespmem:s0+$0x0] =	vst v0  }
0x79: {  	s0 =	sshll.u32 s15, $0x9;
	s3 =	sshll.u32 s24, $0x3;
	s4 =	sshll.u32 s15, $0x7  }
0x7a: {  	p0 =	sgt.s32 s16, $0x7;
	s5 =	sshra.s32 s16, $0x1F;
	s6 =	smov.u32 s15  }
0x7b: {  	s11 =	sshra.s32 s15, $0x1F;
	p1 =	sgt.s32 s14, $0x13D;
	s31 =	sshra.s32 s14, $0x1F  }
0x7c: {  	s24 =	smul.u32 $0xF3C00, s16;
	s0 =	sand.u32 $0xFFFFF000, s0;
	s26 =	sand.u32 $0x200, s4  }
0x7d: {  	s5 =	sand.u32 s5, s16;
	s28 =	sand.u32 s11, s15;
	s11 =	sand.u32 s31, s14  }
0x7e: {  	s31 =	simm.s32 $0x6000;
	s0 =	sor.u32 s0, s3;
	s3 =	smov.u32 s16  }
0x7f: {  	s0 =	sor.u32 s26, s0;
	s3 =	simm.s32 @!p0 $0x7;
	p0 =	sgt.s32 s15, $0x28  }
0x80: {  	s26 =	smul.u32 $0xC00, s14;
	s0 =	sshrl.u32 s0, $0x9;
	s3 =	ssub.s32 s3, s5  }
0x81: {  	s6 =	simm.s32 @!p0 $0x28;
	s27 =	smulhi.u32 $0x5555556, s0;
	s3 =	sadd.s32 $0xFFFFFFF9, s3  }
0x82: {  	s5 =	ssub.s32 s6, s28;
	s6 =	smov.u32 s14;
	p0 =	sgt.s32 s3, $0x0  }
0x83: {  	s29 =	sadd.s32 $0xFFFFFFD8, s5;
	s6 =	simm.s32 @!p1 $0x13D;
	s3 =	sshll.u32 s3, $0x8  }
0x84: {  	s5 =	ssub.s32 $0x30, s5;
	s4 =	smul.u32 $0x30, s27;
	p1 =	sgt.s32 s29, $0x7  }
0x85: {  	s3 =	ssub.s32 $0x100, s3;
	s6 =	ssub.s32 s6, s11;
	s27 =	sshll.u32 s15, $0x4  }
0x86: {  	s29 =	simm.s32 $0x800;
	s5 =	simm.s32 @p1 $0x0;
	s3 =	simm.s32 @p0 $0x0  }
0x87: {  	s12 =	sadd.s32 $0xFFFFFEC3, s6;
	s3 =	smul.u32 s5, s3;
	s0 =	ssub.s32 s0, s4  }
0x88: {  	p0 =	sgt.s32 s12, $0x7;
	s4 =	ssub.s32 $0x145, s6;
	s12 =	rddreg [dreg:$0x1]  }
.Ltmp5:
0x89: {  	s4 =	simm.s32 @p0 $0x0;
	s5 =	sadd.s32 s12, s24;
	(pc) =	sbr.rel .LBB1_7-.Ltmp5, $4  }
0x8a: {  	s28 =	sand.u32 $0x30, s27;
	s3 =	smul.u32 s4, s3;
	s5 =	sadd.s32 s26, s5  }
0x8b: {  	s0 =	sshll.u32 s0, $0x6;
	s12 =	smov.u32 s8;
	s4 =	sadd.s32 s28, s5  }
0x8c: {  	s8 =	rddreg [dreg:$0x3];
	s3 =	sand.u32 $0x3FFFFF00, s3;
	s0 =	sadd.s32 s0, s4  }
0x8d: {  	[hbm4b:s0+s29] =	stream.strided.scatter [tilespmem:s25], [sflag:$0x2], s3, s31, s29, $0x38;
	[tilespmem:$0x10000] =	vst v63  }
.LBB1_8:
0x8e: {  	_ =	sfence.sel $0x180000  }
0x8f: {  	s0 =	simm.s32 $0x1;
	[bflag:$0x0] =	sbarrier.arrive $0xFFFF  }
0x90: {  	s30 =	simm.s32 $0x2;
	[sflag:s0] =	ssyncpa.u1 $0x1  }
0x91: {  	[sflag:s30] =	ssyncpa.u1 $0x1  }
0x92: {  	_ =	strace $0x90000047  }
0x93: {  	s31 =	stileid.u32;
	[bflag:$0x2] =	sbarrier.arrive $0xFFFF  }
0x94: {  	p0 =	sne.s32 s31, $0x0;
	s0 =	rddreg [dreg:$0x2]  }
0x95: {  	s0 =	sadd.s32 @!p0 $0x100000, s0  }
0x96: {  	[sflag:s0] =	ssyncadd.tile.s32 @!p0 $0x1;
	_ =	shalt  }
.Lfunc_end1:
_tile_overlayer_lowered:
.L_overlay_start_2:
0x97: {  	(tag) =	ssettag $0x2  }
0x98: {  	s0 =	rddreg [dreg:$0x0];
	s2 =	stileid.u32  }
0x99: {  	s1 =	rddreg [dreg:$0x1];
	p0 =	sne.s32 s2, $0x0  }
0x9a: {  	s3 =	rddreg [dreg:$0x2];
	[bflag:$0x3] =	sbarrier.arrive $0xFFFF;
	s2 =	simm.s32 @!p0 $0x1C01  }
0x9b: {  	[timem:s3], [sflag:s2] =	dma.local @!p0 [hbm:s0], s1  }
0x9c: {  	s0 =	simm.s32 @!p0 $0x1  }
0x9d: {  	_ =	swait.ge @!p0 [sflag:s0], s1  }
0x9e: {  	s1 =	ssub.s32 @!p0 $0x0, s1;
	[sflag:s0] =	ssyncset.done @!p0 $0x0  }
0x9f: {  	[sflag:s0] =	ssyncadd.s32 @!p0 s1  }
0xa0: {  	[bflag:$0x3] =	sbarrier.arrive $0xFFFF  }
0xa1: {  	_ =	shalt  }

</sc_bundles>
